<compile_context>
chip_gen: v7x
topology: tpu7x:2x2x1
jax: 0.10.2.dev20260603
libtpu: 0.0.44.dev20260713+nightly
codegen_flags: <defaults>
</compile_context>

<pallas_src>
import jax
import jax.numpy as jnp
from jax.experimental import pallas as pl
from jax.experimental.pallas import tpu as pltpu
from jax.experimental.pallas import tpu_sc as plsc

_B = 8
_D = 768


def _scs_body(idx_hbm, table_hbm, out_hbm, idx_s, sem):
    pltpu.sync_copy(idx_hbm, idx_s)
    for i in range(_B):
        pltpu.async_copy(table_hbm.at[idx_s[i]], out_hbm.at[i], sem)
    pltpu.make_async_copy(table_hbm.at[pl.ds(0, _B)], out_hbm, sem).wait()


def kernel(x, table):
    idx = x.astype(jnp.int32)
    mesh = plsc.ScalarSubcoreMesh(axis_name="c", num_cores=1)
    k = pl.kernel(
        _scs_body,
        mesh=mesh,
        out_type=jax.ShapeDtypeStruct((_B, _D), jnp.float32),
        scratch_types=[
            pltpu.SMEM((_B,), jnp.int32),
            pltpu.SemaphoreType.DMA,
        ],
    )
    return k(idx, table)

# --- scband reference (transcript-rebuilt; emitter-appended) ---
"""Pipeline reference for scband-preprocessing-84327387890452 (READ-ONLY COPY).

The authoritative reference and input builder live on the scoring server;
editing this copy changes nothing except your own understanding.
"""

import jax, jax.numpy as jnp
import numpy as np

VOCAB_SIZE = 30000
VOCAB_DIM = 768

def setup_inputs(seed: int = 0) -> dict:
    key = jax.random.key(seed)
    k1, k2 = jax.random.split(key)
    x = jax.random.randint(k1, (8,), 0, VOCAB_SIZE, dtype=jnp.int64) if jax.config.jax_enable_x64 else jax.random.randint(k1, (8,), 0, VOCAB_SIZE, dtype=jnp.int32)
    table = jax.random.normal(k2, (VOCAB_SIZE, VOCAB_DIM), dtype=jnp.float32)
    return {"x": x, "table": table}

def reference(x, table):
    # Faithful translation of Preprocessing.forward.
    # If len(x) != 8, left-pad with zeros to length 8 (here len(x)==8 so no-op,
    # but keep the logic explicit and jit-safe for the fixed length-8 case).
    n = x.shape[0]
    if n != 8:
        pad = jnp.zeros((8 - n,), dtype=x.dtype)
        x = jnp.concatenate([pad, x], axis=0)
    idx = x.astype(jnp.int32)
    out = jnp.take(table, idx, axis=0)
    return out

if __name__ == "__main__":
    import jax
    _d = setup_inputs()
    print(jax.jit(kernel)(*tuple(_d.values())))

</pallas_src>

<mosaic_0001>
#map = affine_map<(d0) -> (0)>
#map1 = affine_map<(d0) -> (0, 0)>
module attributes {stable_mosaic.version = 14 : i64} {
  func.func @_scs_body(%arg0: i32, %arg1: memref<8xi32, #tpu.memory_space<hbm>>, %arg2: memref<30000x768xf32, #tpu.memory_space<hbm>>, %arg3: memref<8x768xf32, #tpu.memory_space<hbm>>, %arg4: memref<8xi32, #tpu.memory_space<smem>>, %arg5: memref<!tpu.dma_semaphore, #tpu.memory_space<semaphore_mem>>) attributes {dimension_semantics = [#tpu.dimension_semantics<core_parallel>], iteration_bounds = array<i64: 1>, scalar_prefetch = 0 : i64, scratch_operands = 2 : i64, tpu.core_type = #tpu.core_type<sc_scalar_subcore>, window_params = [{transform_indices = #map}, {transform_indices = #map1}, {transform_indices = #map1}]} {
    "tpu.region"() ({
      %run_scoped3A = tpu.sem_alloc : memref<!tpu.dma_semaphore, #tpu.memory_space<semaphore_mem>>
      tpu.enqueue_dma source(%arg1 : memref<8xi32, #tpu.memory_space<hbm>>) target(%arg4 : memref<8xi32, #tpu.memory_space<smem>>) target_semaphore(%run_scoped3A : memref<!tpu.dma_semaphore, #tpu.memory_space<semaphore_mem>>)
      tpu.wait_dma2 semaphore(%run_scoped3A : memref<!tpu.dma_semaphore, #tpu.memory_space<semaphore_mem>>) src(%arg1 : memref<8xi32, #tpu.memory_space<hbm>>) dst(%arg4 : memref<8xi32, #tpu.memory_space<smem>>)
      tpu.yield
    }) : () -> ()
    %get3A = arith.constant 0 : i32
    %get3A_0 = arith.index_cast %get3A : i32 to index
    %get3A_1 = memref.load %arg4[%get3A_0] : memref<8xi32, #tpu.memory_space<smem>>
    %dma_start3A = arith.constant 0 : i32
    %dma_start3A_2 = arith.constant 0 : i32
    %dma_start3A_3 = tpu.memref_slice %arg3[%dma_start3A, %dma_start3A_2] : memref<8x768xf32, #tpu.memory_space<hbm>> -> memref<1x768xf32, #tpu.memory_space<hbm>>
    %dma_start3A_4 = tpu.memref_squeeze %dma_start3A_3 : memref<1x768xf32, #tpu.memory_space<hbm>> -> memref<768xf32, #tpu.memory_space<hbm>>
    %dma_start3A_5 = arith.constant 0 : i32
    %dma_start3A_6 = tpu.memref_slice %arg2[%get3A_1, %dma_start3A_5] : memref<30000x768xf32, #tpu.memory_space<hbm>> -> memref<1x768xf32, #tpu.memory_space<hbm>>
    %dma_start3A_7 = tpu.memref_squeeze %dma_start3A_6 : memref<1x768xf32, #tpu.memory_space<hbm>> -> memref<768xf32, #tpu.memory_space<hbm>>
    tpu.enqueue_dma source(%dma_start3A_7 : memref<768xf32, #tpu.memory_space<hbm>>) target(%dma_start3A_4 : memref<768xf32, #tpu.memory_space<hbm>>) target_semaphore(%arg5 : memref<!tpu.dma_semaphore, #tpu.memory_space<semaphore_mem>>)
    %get3A_8 = arith.constant 1 : i32
    %get3A_9 = arith.index_cast %get3A_8 : i32 to index
    %get3A_10 = memref.load %arg4[%get3A_9] : memref<8xi32, #tpu.memory_space<smem>>
    %dma_start3A_11 = arith.constant 1 : i32
    %dma_start3A_12 = arith.constant 0 : i32
    %dma_start3A_13 = tpu.memref_slice %arg3[%dma_start3A_11, %dma_start3A_12] : memref<8x768xf32, #tpu.memory_space<hbm>> -> memref<1x768xf32, #tpu.memory_space<hbm>>
    %dma_start3A_14 = tpu.memref_squeeze %dma_start3A_13 : memref<1x768xf32, #tpu.memory_space<hbm>> -> memref<768xf32, #tpu.memory_space<hbm>>
    %dma_start3A_15 = arith.constant 0 : i32
    %dma_start3A_16 = tpu.memref_slice %arg2[%get3A_10, %dma_start3A_15] : memref<30000x768xf32, #tpu.memory_space<hbm>> -> memref<1x768xf32, #tpu.memory_space<hbm>>
    %dma_start3A_17 = tpu.memref_squeeze %dma_start3A_16 : memref<1x768xf32, #tpu.memory_space<hbm>> -> memref<768xf32, #tpu.memory_space<hbm>>
    tpu.enqueue_dma source(%dma_start3A_17 : memref<768xf32, #tpu.memory_space<hbm>>) target(%dma_start3A_14 : memref<768xf32, #tpu.memory_space<hbm>>) target_semaphore(%arg5 : memref<!tpu.dma_semaphore, #tpu.memory_space<semaphore_mem>>)
    %get3A_18 = arith.constant 2 : i32
    %get3A_19 = arith.index_cast %get3A_18 : i32 to index
    %get3A_20 = memref.load %arg4[%get3A_19] : memref<8xi32, #tpu.memory_space<smem>>
    %dma_start3A_21 = arith.constant 2 : i32
    %dma_start3A_22 = arith.constant 0 : i32
    %dma_start3A_23 = tpu.memref_slice %arg3[%dma_start3A_21, %dma_start3A_22] : memref<8x768xf32, #tpu.memory_space<hbm>> -> memref<1x768xf32, #tpu.memory_space<hbm>>
    %dma_start3A_24 = tpu.memref_squeeze %dma_start3A_23 : memref<1x768xf32, #tpu.memory_space<hbm>> -> memref<768xf32, #tpu.memory_space<hbm>>
    %dma_start3A_25 = arith.constant 0 : i32
    %dma_start3A_26 = tpu.memref_slice %arg2[%get3A_20, %dma_start3A_25] : memref<30000x768xf32, #tpu.memory_space<hbm>> -> memref<1x768xf32, #tpu.memory_space<hbm>>
    %dma_start3A_27 = tpu.memref_squeeze %dma_start3A_26 : memref<1x768xf32, #tpu.memory_space<hbm>> -> memref<768xf32, #tpu.memory_space<hbm>>
    tpu.enqueue_dma source(%dma_start3A_27 : memref<768xf32, #tpu.memory_space<hbm>>) target(%dma_start3A_24 : memref<768xf32, #tpu.memory_space<hbm>>) target_semaphore(%arg5 : memref<!tpu.dma_semaphore, #tpu.memory_space<semaphore_mem>>)
    %get3A_28 = arith.constant 3 : i32
    %get3A_29 = arith.index_cast %get3A_28 : i32 to index
    %get3A_30 = memref.load %arg4[%get3A_29] : memref<8xi32, #tpu.memory_space<smem>>
    %dma_start3A_31 = arith.constant 3 : i32
    %dma_start3A_32 = arith.constant 0 : i32
    %dma_start3A_33 = tpu.memref_slice %arg3[%dma_start3A_31, %dma_start3A_32] : memref<8x768xf32, #tpu.memory_space<hbm>> -> memref<1x768xf32, #tpu.memory_space<hbm>>
    %dma_start3A_34 = tpu.memref_squeeze %dma_start3A_33 : memref<1x768xf32, #tpu.memory_space<hbm>> -> memref<768xf32, #tpu.memory_space<hbm>>
    %dma_start3A_35 = arith.constant 0 : i32
    %dma_start3A_36 = tpu.memref_slice %arg2[%get3A_30, %dma_start3A_35] : memref<30000x768xf32, #tpu.memory_space<hbm>> -> memref<1x768xf32, #tpu.memory_space<hbm>>
    %dma_start3A_37 = tpu.memref_squeeze %dma_start3A_36 : memref<1x768xf32, #tpu.memory_space<hbm>> -> memref<768xf32, #tpu.memory_space<hbm>>
    tpu.enqueue_dma source(%dma_start3A_37 : memref<768xf32, #tpu.memory_space<hbm>>) target(%dma_start3A_34 : memref<768xf32, #tpu.memory_space<hbm>>) target_semaphore(%arg5 : memref<!tpu.dma_semaphore, #tpu.memory_space<semaphore_mem>>)
    %get3A_38 = arith.constant 4 : i32
    %get3A_39 = arith.index_cast %get3A_38 : i32 to index
    %get3A_40 = memref.load %arg4[%get3A_39] : memref<8xi32, #tpu.memory_space<smem>>
    %dma_start3A_41 = arith.constant 4 : i32
    %dma_start3A_42 = arith.constant 0 : i32
    %dma_start3A_43 = tpu.memref_slice %arg3[%dma_start3A_41, %dma_start3A_42] : memref<8x768xf32, #tpu.memory_space<hbm>> -> memref<1x768xf32, #tpu.memory_space<hbm>>
    %dma_start3A_44 = tpu.memref_squeeze %dma_start3A_43 : memref<1x768xf32, #tpu.memory_space<hbm>> -> memref<768xf32, #tpu.memory_space<hbm>>
    %dma_start3A_45 = arith.constant 0 : i32
    %dma_start3A_46 = tpu.memref_slice %arg2[%get3A_40, %dma_start3A_45] : memref<30000x768xf32, #tpu.memory_space<hbm>> -> memref<1x768xf32, #tpu.memory_space<hbm>>
    %dma_start3A_47 = tpu.memref_squeeze %dma_start3A_46 : memref<1x768xf32, #tpu.memory_space<hbm>> -> memref<768xf32, #tpu.memory_space<hbm>>
    tpu.enqueue_dma source(%dma_start3A_47 : memref<768xf32, #tpu.memory_space<hbm>>) target(%dma_start3A_44 : memref<768xf32, #tpu.memory_space<hbm>>) target_semaphore(%arg5 : memref<!tpu.dma_semaphore, #tpu.memory_space<semaphore_mem>>)
    %get3A_48 = arith.constant 5 : i32
    %get3A_49 = arith.index_cast %get3A_48 : i32 to index
    %get3A_50 = memref.load %arg4[%get3A_49] : memref<8xi32, #tpu.memory_space<smem>>
    %dma_start3A_51 = arith.constant 5 : i32
    %dma_start3A_52 = arith.constant 0 : i32
    %dma_start3A_53 = tpu.memref_slice %arg3[%dma_start3A_51, %dma_start3A_52] : memref<8x768xf32, #tpu.memory_space<hbm>> -> memref<1x768xf32, #tpu.memory_space<hbm>>
    %dma_start3A_54 = tpu.memref_squeeze %dma_start3A_53 : memref<1x768xf32, #tpu.memory_space<hbm>> -> memref<768xf32, #tpu.memory_space<hbm>>
    %dma_start3A_55 = arith.constant 0 : i32
    %dma_start3A_56 = tpu.memref_slice %arg2[%get3A_50, %dma_start3A_55] : memref<30000x768xf32, #tpu.memory_space<hbm>> -> memref<1x768xf32, #tpu.memory_space<hbm>>
    %dma_start3A_57 = tpu.memref_squeeze %dma_start3A_56 : memref<1x768xf32, #tpu.memory_space<hbm>> -> memref<768xf32, #tpu.memory_space<hbm>>
    tpu.enqueue_dma source(%dma_start3A_57 : memref<768xf32, #tpu.memory_space<hbm>>) target(%dma_start3A_54 : memref<768xf32, #tpu.memory_space<hbm>>) target_semaphore(%arg5 : memref<!tpu.dma_semaphore, #tpu.memory_space<semaphore_mem>>)
    %get3A_58 = arith.constant 6 : i32
    %get3A_59 = arith.index_cast %get3A_58 : i32 to index
    %get3A_60 = memref.load %arg4[%get3A_59] : memref<8xi32, #tpu.memory_space<smem>>
    %dma_start3A_61 = arith.constant 6 : i32
    %dma_start3A_62 = arith.constant 0 : i32
    %dma_start3A_63 = tpu.memref_slice %arg3[%dma_start3A_61, %dma_start3A_62] : memref<8x768xf32, #tpu.memory_space<hbm>> -> memref<1x768xf32, #tpu.memory_space<hbm>>
    %dma_start3A_64 = tpu.memref_squeeze %dma_start3A_63 : memref<1x768xf32, #tpu.memory_space<hbm>> -> memref<768xf32, #tpu.memory_space<hbm>>
    %dma_start3A_65 = arith.constant 0 : i32
    %dma_start3A_66 = tpu.memref_slice %arg2[%get3A_60, %dma_start3A_65] : memref<30000x768xf32, #tpu.memory_space<hbm>> -> memref<1x768xf32, #tpu.memory_space<hbm>>
    %dma_start3A_67 = tpu.memref_squeeze %dma_start3A_66 : memref<1x768xf32, #tpu.memory_space<hbm>> -> memref<768xf32, #tpu.memory_space<hbm>>
    tpu.enqueue_dma source(%dma_start3A_67 : memref<768xf32, #tpu.memory_space<hbm>>) target(%dma_start3A_64 : memref<768xf32, #tpu.memory_space<hbm>>) target_semaphore(%arg5 : memref<!tpu.dma_semaphore, #tpu.memory_space<semaphore_mem>>)
    %get3A_68 = arith.constant 7 : i32
    %get3A_69 = arith.index_cast %get3A_68 : i32 to index
    %get3A_70 = memref.load %arg4[%get3A_69] : memref<8xi32, #tpu.memory_space<smem>>
    %dma_start3A_71 = arith.constant 7 : i32
    %dma_start3A_72 = arith.constant 0 : i32
    %dma_start3A_73 = tpu.memref_slice %arg3[%dma_start3A_71, %dma_start3A_72] : memref<8x768xf32, #tpu.memory_space<hbm>> -> memref<1x768xf32, #tpu.memory_space<hbm>>
    %dma_start3A_74 = tpu.memref_squeeze %dma_start3A_73 : memref<1x768xf32, #tpu.memory_space<hbm>> -> memref<768xf32, #tpu.memory_space<hbm>>
    %dma_start3A_75 = arith.constant 0 : i32
    %dma_start3A_76 = tpu.memref_slice %arg2[%get3A_70, %dma_start3A_75] : memref<30000x768xf32, #tpu.memory_space<hbm>> -> memref<1x768xf32, #tpu.memory_space<hbm>>
    %dma_start3A_77 = tpu.memref_squeeze %dma_start3A_76 : memref<1x768xf32, #tpu.memory_space<hbm>> -> memref<768xf32, #tpu.memory_space<hbm>>
    tpu.enqueue_dma source(%dma_start3A_77 : memref<768xf32, #tpu.memory_space<hbm>>) target(%dma_start3A_74 : memref<768xf32, #tpu.memory_space<hbm>>) target_semaphore(%arg5 : memref<!tpu.dma_semaphore, #tpu.memory_space<semaphore_mem>>)
    %dma_wait3A = arith.constant 0 : i32
    %dma_wait3A_78 = arith.constant 0 : i32
    %dma_wait3A_79 = tpu.memref_slice %arg2[%dma_wait3A, %dma_wait3A_78] : memref<30000x768xf32, #tpu.memory_space<hbm>> -> memref<8x768xf32, #tpu.memory_space<hbm>>
    tpu.wait_dma2 semaphore(%arg5 : memref<!tpu.dma_semaphore, #tpu.memory_space<semaphore_mem>>) src(%dma_wait3A_79 : memref<8x768xf32, #tpu.memory_space<hbm>>) dst(%arg3 : memref<8x768xf32, #tpu.memory_space<hbm>>)
    return
  }
}

</mosaic_0001>

<sc_bundles>
// kernel: kernel.3.cloned.1.call-start
scs
__scs_entry_jumppad:
0x0: {  	(pc) =	sbr.rel $0x88, $3  }
0x1: {  	(tag) =	ssettag $0x0;
	lr =	simm.s32 $0x1  }
0x2: {  	[smem:$0x3F9F] =	sst lr;
	_ =	strace $0xD0000000  }
0x3: {  	_ = 	snop  }
0x4: {  	_ = 	snop  }
0x5: {  	_ = 	snop  }
0x6: {  	_ = 	snop  }
0x7: {  	_ = 	snop  }
__scs_overlays_trampoline_lowered:
0x8: {  	[smem:$0x3FAE] =	sst s0  }
0x9: {  	[smem:$0x3FAF] =	sst s1  }
0xa: {  	[smem:$0x3FB0] =	sst s2  }
0xb: {  	[smem:$0x3FB1] =	sst s3  }
0xc: {  	[smem:$0x3FB2] =	sst s4  }
0xd: {  	[smem:$0x3FB3] =	sst s5  }
0xe: {  	[smem:$0x3FB4] =	sst s6  }
0xf: {  	[smem:$0x3FB5] =	sst s7  }
0x10: {  	[smem:$0x3FB6] =	sst s8  }
0x11: {  	[smem:$0x3FB7] =	sst s9;
	s0 =	simm.s32 @!p0 $0x0  }
0x12: {  	s1 =	sld [smem:$0x3F9D];
	s0 =	simm.s32 @p0 $0x1  }
0x13: {  	[smem:$0x3FB8] =	sst s0;
	s0 =	simm.s32 @!p1 $0x0  }
0x14: {  	s2 =	sld [smem:$0x3F9C];
	s0 =	simm.s32 @p1 $0x1  }
0x15: {  	[smem:$0x3FB9] =	sst s0;
	s0 =	simm.s32 @!p2 $0x0  }
0x16: {  	s3 =	sld [smem:$0x3FDB];
	s0 =	simm.s32 @p2 $0x1  }
0x17: {  	s4 =	simm.s32 $0x1BF5;
	[smem:$0x3FBB] =	sst s0  }
0x18: {  	s0 =	sld [smem:$0x3F9E];
	_ =	swait.ge [sflag:s4], $0x0  }
0x19: {  	s7 =	sld [smem:$0x3F9F]  }
0x1a: {  	s8 =	sadd.s32 $0xFFFFE003, lr  }
0x1b: {  	s9 =	sadd.s32 $0xFFFFFEF7, lr;
	s5 =	simm.s32 $0xFFFFFFFF;
	p2 =	slt.u32 s8, $0xFFFFF086  }
0x1c: {  	p1 =	slt.u32 s9, $0xF7A;
	s5 =	simm.s32 @!p2 $0x0  }
0x1d: {  	s5 =	simm.s32 @p1 $0x1;
	p0 =	seq.s32 s7, s2  }
0x1e: {  	s7 =	smul.u32 @!p0 $0xF7A, s2;
	p2 =	seq.s32 @!p0 s5, $0x0  }
0x1f: {  	s9 =	smul.u32 $0xF7A, s1;
	s8 =	simm.s32 @!p0 $0x1BF5;
	p2 =	por !p2, p0  }
0x20: {  	[sflag:s8] =	ssyncset.s32 @!p0 $0xFFFFF086;
	s6 =	sadd.s32 @!p0 s3, s7;
	s7 =	simm.s32 @!p0 $0x108  }
0x21: {  	s3 =	sadd.s32 s3, s9;
	s6 =	sadd.s32 @!p0 $0x88, s6;
	s7 =	simm.s32 @p2 $0x1082  }
0x22: {  	[simem:s7], [sflag:s8] =	dma.local @!p0 [hbm:s6], $0xF7A  }
0x23: {  	s9 =	sor.u32 $0xD0000000, s2;
	s6 =	simm.s32 $0x108;
	_ =	swait.ge @!p0 [sflag:s8], $0x0  }
0x24: {  	s3 =	sadd.s32 $0x88, s3;
	s6 =	simm.s32 @!p1 $0x1082;
	[sflag:s4] =	ssyncset.s32 $0xFFFFF086  }
0x25: {  	[simem:s6], [sflag:s4] =	dma.local [hbm:s3], $0xF7A  }
0x26: {  	[smem:$0x3F9F] =	sst s1;
	(tag) =	ssettag s2;
	_ =	strace s9  }
0x27: {  	s1 =	sld [smem:$0x3FAF]  }
0x28: {  	s2 =	sld [smem:$0x3FB0]  }
0x29: {  	s4 =	sld [smem:$0x3FB2]  }
0x2a: {  	p0 =	seq.s32 s5, $0x0;
	s5 =	sld [smem:$0x3FB3]  }
0x2b: {  	s6 =	sld [smem:$0x3FB4]  }
0x2c: {  	s7 =	sld [smem:$0x3FB5]  }
0x2d: {  	s3 =	simm.s32 $0x108;
	s8 =	sld [smem:$0x3FB6]  }
0x2e: {  	s3 =	simm.s32 @!p0 $0x1082;
	s9 =	sld [smem:$0x3FB7]  }
0x2f: {  	lr =	sadd.s32 s0, s3;
	s0 =	sld [smem:$0x3FAE]  }
0x30: {  	s3 =	sld [smem:$0x3FB1]  }
0x31: {  	[smem:$0x3FBA] =	sst s10  }
0x32: {  	s10 =	sld [smem:$0x3FB8];
	_ =	sdelay $0x3  }
0x33: {  	p0 =	seq.s32 s10, $0x1;
	s10 =	sld [smem:$0x3FBA];
	_ =	sdelay $0x3  }
0x34: {  	[smem:$0x3FBA] =	sst s10  }
0x35: {  	s10 =	sld [smem:$0x3FB9];
	_ =	sdelay $0x3  }
0x36: {  	p1 =	seq.s32 s10, $0x1;
	s10 =	sld [smem:$0x3FBA];
	_ =	sdelay $0x3  }
0x37: {  	[smem:$0x3FBA] =	sst s10  }
0x38: {  	s10 =	sld [smem:$0x3FBB]  }
0x39: {  	_ = 	snop;
	(pc) =	sbr.ind lr, $3  }
0x3a: {  	_ = 	snop  }
0x3b: {  	_ = 	snop  }
0x3c: {  	p2 =	seq.s32 s10, $0x1;
	s10 =	sld [smem:$0x3FBA]  }
0x3d: {  	_ =	shalt  }
0x3e: {  	_ =	shalt  }
0x3f: {  	_ =	shalt  }
0x40: {  	_ =	shalt  }
0x41: {  	_ =	shalt  }
0x42: {  	_ =	shalt  }
0x43: {  	_ =	shalt  }
0x44: {  	_ =	shalt  }
0x45: {  	_ =	shalt  }
0x46: {  	_ =	shalt  }
0x47: {  	_ =	shalt  }
0x48: {  	_ =	shalt  }
0x49: {  	_ =	shalt  }
0x4a: {  	_ =	shalt  }
0x4b: {  	_ =	shalt  }
0x4c: {  	_ =	shalt  }
0x4d: {  	_ =	shalt  }
0x4e: {  	_ =	shalt  }
0x4f: {  	_ =	shalt  }
0x50: {  	_ =	shalt  }
0x51: {  	_ =	shalt  }
0x52: {  	_ =	shalt  }
0x53: {  	_ =	shalt  }
0x54: {  	_ =	shalt  }
0x55: {  	_ =	shalt  }
0x56: {  	_ =	shalt  }
0x57: {  	_ =	shalt  }
0x58: {  	_ =	shalt  }
0x59: {  	_ =	shalt  }
0x5a: {  	_ =	shalt  }
0x5b: {  	_ =	shalt  }
0x5c: {  	_ =	shalt  }
0x5d: {  	_ =	shalt  }
0x5e: {  	_ =	shalt  }
0x5f: {  	_ =	shalt  }
0x60: {  	_ =	shalt  }
0x61: {  	_ =	shalt  }
0x62: {  	_ =	shalt  }
0x63: {  	_ =	shalt  }
0x64: {  	_ =	shalt  }
0x65: {  	_ =	shalt  }
0x66: {  	_ =	shalt  }
0x67: {  	_ =	shalt  }
0x68: {  	_ =	shalt  }
0x69: {  	_ =	shalt  }
0x6a: {  	_ =	shalt  }
0x6b: {  	_ =	shalt  }
0x6c: {  	_ =	shalt  }
0x6d: {  	_ =	shalt  }
0x6e: {  	_ =	shalt  }
0x6f: {  	_ =	shalt  }
0x70: {  	_ =	shalt  }
0x71: {  	_ =	shalt  }
0x72: {  	_ =	shalt  }
0x73: {  	_ =	shalt  }
0x74: {  	_ =	shalt  }
0x75: {  	_ =	shalt  }
0x76: {  	_ =	shalt  }
0x77: {  	_ =	shalt  }
0x78: {  	_ =	shalt  }
0x79: {  	_ =	shalt  }
0x7a: {  	_ =	shalt  }
0x7b: {  	_ =	shalt  }
0x7c: {  	_ =	shalt  }
0x7d: {  	_ =	shalt  }
0x7e: {  	_ =	shalt  }
0x7f: {  	_ =	shalt  }
0x80: {  	_ =	shalt  }
0x81: {  	_ =	shalt  }
0x82: {  	_ =	shalt  }
0x83: {  	_ =	shalt  }
0x84: {  	_ =	shalt  }
0x85: {  	_ =	shalt  }
0x86: {  	_ =	shalt  }
0x87: {  	_ =	shalt  }
.Lfunc_end0:
.L_simem_size_0:
called_computation_lowered:
.L_overlay_start_0:
0x88: {  	s0 =	sld [smem:$0x3FD9]  }
0x89: {  	s1 =	sld [smem:$0x3FFE];
	_ =	sdelay $0x3  }
0x8a: {  	s0 =	sadd.s32 s1, s0  }
0x8b: {  	s3 =	simm.s32 $0x0;
	[smem:$0x3FC6] =	sst s0  }
0x8c: {  	[smem:$0xF] =	sst s3  }
0x8d: {  	s2 =	sld [smem:$0x3FC9]  }
0x8e: {  	s0 =	sld [smem:$0x3FC8]  }
0x8f: {  	s31 =	sld [smem:$0x3FD0];
	(tm) =	ssettm $0x1  }
0x90: {  	s6 =	sld [smem:$0x3FFB];
	_ =	sdelay $0x3  }
0x91: {  	_ =	strace s6  }
0x92: {  	s3 =	sld [smem:$0x3FFC];
	_ =	sdelay $0x3  }
0x93: {  	_ =	strace s3  }
0x94: {  	s3 =	sld [smem:$0x3FFD];
	_ =	sdelay $0x3  }
0x95: {  	_ =	strace s3  }
0x96: {  	s7 =	simm.s32 $0x1B8B;
	_ =	strace $0x8FFFFFFF  }
0x97: {  	_ =	swait.ge [sflag:s7], $0x1  }
0x98: {  	[sflag:s7] =	ssyncset.done $0x0  }
0x99: {  	s8 =	simm.s32 $0x1B8E;
	[sflag:s7] =	ssyncadd.s32 $0xFFFFFFFF  }
0x9a: {  	[smem:$0x3FD2] =	sst s8  }
0x9b: {  	s9 =	simm.s32 $0xA;
	s4 =	simm.s32 $0x10;
	_ =	strace $0x80000046  }
0x9c: {  	[smem:s4], [sflag:s9] =	dma.local [hbm:s2], $0x10  }
0x9d: {  	_ =	swait.ge [sflag:s9], $0x10  }
0x9e: {  	[sflag:s9] =	ssyncset.done $0x0  }
0x9f: {  	[sflag:s9] =	ssyncadd.s32 $0xFFFFFFF0  }
0xa0: {  	s10 =	sld [smem:$0x10];
	_ =	sdelay $0x3  }
0xa1: {  	s11 =	sshrl.u32 s10, $0x3  }
0xa2: {  	s2 =	sshll.u32 s10, $0x7;
	s3 =	smul.u32 $0x1800, s11  }
0xa3: {  	s2 =	sand.u32 $0x380, s2  }
0xa4: {  	s2 =	sor.u32 s2, s3  }
0xa5: {  	s12 =	simm.s32 $0x1;
	s2 =	sshrl.u32 s2, $0x3  }
0xa6: {  	s13 =	simm.s32 $0x80;
	s14 =	simm.s32 $0x9;
	s5 =	sadd.s32 s0, s2  }
0xa7: {  	[hbm:s31@s13], [sflag:s14] =	dma.strided [hbm:s5@s13], $0x60, s12, $0x10   }
0xa8: {  	s5 =	sld [smem:$0x11];
	_ =	sdelay $0x3  }
0xa9: {  	s6 =	sshrl.u32 s5, $0x3  }
0xaa: {  	s5 =	sshll.u32 s5, $0x7;
	s6 =	smul.u32 $0x1800, s6  }
0xab: {  	s5 =	sand.u32 $0x380, s5  }
0xac: {  	s5 =	sor.u32 s5, s6  }
0xad: {  	s5 =	sshrl.u32 s5, $0x3  }
0xae: {  	s15 =	sadd.s32 $0x10, s31;
	s5 =	sadd.s32 s0, s5  }
0xaf: {  	[hbm:s15@s13], [sflag:s14] =	dma.strided [hbm:s5@s13], $0x60, s12, $0x10   }
0xb0: {  	s5 =	sld [smem:$0x12];
	_ =	sdelay $0x3  }
0xb1: {  	s16 =	sshrl.u32 s5, $0x3  }
0xb2: {  	s5 =	sshll.u32 s5, $0x7;
	s6 =	smul.u32 $0x1800, s16  }
0xb3: {  	s5 =	sand.u32 $0x380, s5  }
0xb4: {  	s5 =	sor.u32 s5, s6  }
0xb5: {  	s5 =	sshrl.u32 s5, $0x3  }
0xb6: {  	s17 =	sadd.s32 $0x20, s31;
	s5 =	sadd.s32 s0, s5  }
0xb7: {  	[hbm:s17@s13], [sflag:s14] =	dma.strided [hbm:s5@s13], $0x60, s12, $0x10   }
0xb8: {  	s5 =	sld [smem:$0x13];
	_ =	sdelay $0x3  }
0xb9: {  	s18 =	sshrl.u32 s5, $0x3  }
0xba: {  	s5 =	sshll.u32 s5, $0x7;
	s6 =	smul.u32 $0x1800, s18  }
0xbb: {  	s5 =	sand.u32 $0x380, s5  }
0xbc: {  	s5 =	sor.u32 s5, s6  }
0xbd: {  	s5 =	sshrl.u32 s5, $0x3  }
0xbe: {  	s19 =	sadd.s32 $0x30, s31;
	s5 =	sadd.s32 s0, s5  }
0xbf: {  	[hbm:s19@s13], [sflag:s14] =	dma.strided [hbm:s5@s13], $0x60, s12, $0x10   }
0xc0: {  	s5 =	sld [smem:$0x14];
	_ =	sdelay $0x3  }
0xc1: {  	s20 =	sshrl.u32 s5, $0x3  }
0xc2: {  	s5 =	sshll.u32 s5, $0x7;
	s6 =	smul.u32 $0x1800, s20  }
0xc3: {  	s5 =	sand.u32 $0x380, s5  }
0xc4: {  	s5 =	sor.u32 s5, s6  }
0xc5: {  	s5 =	sshrl.u32 s5, $0x3  }
0xc6: {  	s21 =	sadd.s32 $0x40, s31;
	s5 =	sadd.s32 s0, s5  }
0xc7: {  	[hbm:s21@s13], [sflag:s14] =	dma.strided [hbm:s5@s13], $0x60, s12, $0x10   }
0xc8: {  	s5 =	sld [smem:$0x15];
	_ =	sdelay $0x3  }
0xc9: {  	s22 =	sshrl.u32 s5, $0x3  }
0xca: {  	s5 =	sshll.u32 s5, $0x7;
	s6 =	smul.u32 $0x1800, s22  }
0xcb: {  	s5 =	sand.u32 $0x380, s5  }
0xcc: {  	s5 =	sor.u32 s5, s6  }
0xcd: {  	s5 =	sshrl.u32 s5, $0x3  }
0xce: {  	s23 =	sadd.s32 $0x50, s31;
	s5 =	sadd.s32 s0, s5  }
0xcf: {  	[hbm:s23@s13], [sflag:s14] =	dma.strided [hbm:s5@s13], $0x60, s12, $0x10   }
0xd0: {  	s5 =	sld [smem:$0x16];
	_ =	sdelay $0x3  }
0xd1: {  	s24 =	sshrl.u32 s5, $0x3  }
0xd2: {  	s5 =	sshll.u32 s5, $0x7;
	s6 =	smul.u32 $0x1800, s24  }
0xd3: {  	s5 =	sand.u32 $0x380, s5  }
0xd4: {  	s5 =	sor.u32 s5, s6  }
0xd5: {  	s5 =	sshrl.u32 s5, $0x3  }
0xd6: {  	s25 =	sadd.s32 $0x60, s31;
	s5 =	sadd.s32 s0, s5  }
0xd7: {  	[hbm:s25@s13], [sflag:s14] =	dma.strided [hbm:s5@s13], $0x60, s12, $0x10   }
0xd8: {  	s5 =	sld [smem:$0x17];
	_ =	sdelay $0x3  }
0xd9: {  	s26 =	sshrl.u32 s5, $0x3  }
0xda: {  	s5 =	sshll.u32 s5, $0x7;
	s6 =	smul.u32 $0x1800, s26  }
0xdb: {  	s5 =	sand.u32 $0x380, s5  }
0xdc: {  	s5 =	sor.u32 s5, s6  }
0xdd: {  	s5 =	sshrl.u32 s5, $0x3  }
0xde: {  	s1 =	sadd.s32 $0x70, s31;
	s0 =	sadd.s32 s0, s5  }
0xdf: {  	[hbm:s1@s13], [sflag:s14] =	dma.strided [hbm:s0@s13], $0x60, s12, $0x10   }
0xe0: {  	_ =	swait.ge [sflag:s14], $0x300  }
0xe1: {  	[sflag:s14] =	ssyncset.done $0x0  }
0xe2: {  	[sflag:s14] =	ssyncadd.s32 $0xFFFFFD00  }
0xe3: {  	_ =	strace $0x90000046  }
0xe4: {  	_ =	sfence  }
0xe5: {  	s28 =	sld [smem:$0x0];
	_ =	sdelay $0x1  }
0xe6: {  	s29 =	srdreg.scid  }
0xe7: {  	s30 =	sshll.u32 s29, $0xD;
	s31 =	sshrl.u32 s29, $0x2  }
0xe8: {  	s2 =	sand.u32 $0x4000, s30;
	s1 =	sand.u32 $0x1, s29;
	s0 =	sadd.s32 s31, s28  }
0xe9: {  	s1 =	sor.u32 s2, s1;
	s0 =	sshll.u32 s0, $0x11  }
0xea: {  	s0 =	sor.u32 s0, s1  }
0xeb: {  	s0 =	sadd.s32 $0x8F2B, s0;
	(pc) =	sbr.abs _section_cstart, $3  }
0xec: {  	[sflag:s0] =	ssyncadd.remote.s32 $0x1  }
0xed: {  	_ =	strace $0x9FFFFFFF  }
0xee: {  	(tm) =	ssettm $0x7FFFFFFF  }
0xef: {  	_ =	shalt  }

</sc_bundles>
